<compile_context>
chip_gen: v7x
topology: tpu7x:2x2x1
jax: 0.10.2.dev20260603
libtpu: 0.0.44.dev20260713+nightly
codegen_flags: <defaults>
</compile_context>

<pallas_src>
import functools

import jax
import jax.numpy as jnp
from jax import lax
from jax.experimental import pallas as pl
from jax.experimental.pallas import tpu as pltpu
from jax.experimental.pallas import tpu_sc as plsc

RPW = 320


def _sc_body(adj_hbm, deg_hbm, rowbuf, totbuf, *, n):
    wid = lax.axis_index("s") * 2 + lax.axis_index("c")
    row0 = wid * RPW

    totbuf[...] = jnp.zeros((16,), jnp.float32)

    @pl.loop(0, RPW)
    def per_row(r):
        row = row0 + r
        pltpu.sync_copy(adj_hbm.at[jnp.minimum(row, n - 1)], rowbuf)

        @pl.loop(0, n // 16)
        def per_chunk(c):
            v = rowbuf[pl.ds(c * 16, 16)]
            totbuf[...] = totbuf[...] + v

    pltpu.sync_copy(totbuf, deg_hbm.at[wid])


def _scan_adj(adj):
    n = adj.shape[0]
    mesh = plsc.VectorSubcoreMesh(core_axis_name="c", subcore_axis_name="s")
    k = functools.partial(
        pl.kernel,
        mesh=mesh,
        out_type=jax.ShapeDtypeStruct((32, 16), jnp.float32),
        scratch_types=[
            pltpu.VMEM((n,), jnp.float32),
            pltpu.VMEM((16,), jnp.float32),
        ],
    )(functools.partial(_sc_body, n=n))
    return k(adj)


def kernel(x, adj, W1, a_src1, a_dst1, b1, W2, a_src2, a_dst2, b2):
    return _scan_adj(adj)

# --- scband reference (transcript-rebuilt; emitter-appended) ---
"""Pipeline reference for scband-gat-67619965108555 (READ-ONLY COPY).

The authoritative reference and input builder live on the scoring server;
editing this copy changes nothing except your own understanding.
"""

import jax, jax.numpy as jnp
import numpy as np

N = 10000
F_IN = 128
HID = 64
OUT = 128
H = 2


def setup_inputs(seed: int = 0) -> dict:
    key = jax.random.key(seed)
    ks = jax.random.split(key, 10)
    x = jax.random.normal(ks[0], (N, F_IN), dtype=jnp.float32)
    # sparse binary adjacency with avg degree ~32, plus self-loops
    adj = (jax.random.uniform(ks[1], (N, N)) < (32.0 / N)).astype(jnp.float32)
    adj = jnp.maximum(adj, jnp.eye(N, dtype=jnp.float32))
    s = 0.1
    W1 = (jax.random.normal(ks[2], (H, F_IN, HID), dtype=jnp.float32) * s)
    a_src1 = jax.random.normal(ks[3], (H, HID), dtype=jnp.float32) * s
    a_dst1 = jax.random.normal(ks[4], (H, HID), dtype=jnp.float32) * s
    b1 = jnp.zeros((H * HID,), dtype=jnp.float32)
    W2 = (jax.random.normal(ks[5], (H, H * HID, OUT), dtype=jnp.float32) * s)
    a_src2 = jax.random.normal(ks[6], (H, OUT), dtype=jnp.float32) * s
    a_dst2 = jax.random.normal(ks[7], (H, OUT), dtype=jnp.float32) * s
    b2 = jnp.zeros((H * OUT,), dtype=jnp.float32)
    return {"x": x, "adj": adj, "W1": W1, "a_src1": a_src1, "a_dst1": a_dst1, "b1": b1,
            "W2": W2, "a_src2": a_src2, "a_dst2": a_dst2, "b2": b2}


def _gat_layer(x, adj, W, a_src, a_dst, b):
    # per-head linear projection: [N, H, O]
    Wh = jnp.einsum('nf,hfo->nho', x, W)
    # attention logits e_ij = LeakyReLU(a_src . Wh_i + a_dst . Wh_j), slope 0.2
    s_src = jnp.einsum('nho,ho->hn', Wh, a_src)  # [H, N]
    s_dst = jnp.einsum('nho,ho->hn', Wh, a_dst)  # [H, N]
    e = jax.nn.leaky_relu(s_src[:, :, None] + s_dst[:, None, :], negative_slope=0.2)  # [H,N,N]
    e = jnp.where(adj[None, :, :] > 0, e, -9e15)
    attn = jax.nn.softmax(e, axis=-1)  # dropout=0.0 -> identity
    out = jnp.einsum('hij,jho->iho', attn, Wh)  # [N, H, O]
    out = out.reshape(out.shape[0], -1) + b      # concat heads + bias
    # activation=F.leaky_relu (default negative_slope=0.01)
    return jax.nn.leaky_relu(out, negative_slope=0.01)


def reference(x, adj, W1, a_src1, a_dst1, b1, W2, a_src2, a_dst2, b2):
    h = _gat_layer(x, adj, W1, a_src1, a_dst1, b1)      # [N, H*HID] = [N, 128]
    out = _gat_layer(h, adj, W2, a_src2, a_dst2, b2)    # [N, H*OUT] = [N, 256]
    return out

if __name__ == "__main__":
    import jax
    _d = setup_inputs()
    print(jax.jit(kernel)(*tuple(_d.values())))

</pallas_src>

<mosaic_0001>
#map = affine_map<(d0, d1) -> (0, 0)>
module attributes {stable_mosaic.version = 14 : i64} {
  func.func @_sc_body(%arg0: i32, %arg1: i32, %arg2: memref<10000x10000xf32, #tpu.memory_space<hbm>>, %arg3: memref<32x16xf32, #tpu.memory_space<hbm>>, %arg4: memref<10000xf32, #tpu.memory_space<vmem>>, %arg5: memref<16xf32, #tpu.memory_space<vmem>>) attributes {dimension_semantics = [#tpu.dimension_semantics<core_parallel>, #tpu.dimension_semantics<subcore_parallel>], iteration_bounds = array<i64: 2, 16>, scalar_prefetch = 0 : i64, scratch_operands = 2 : i64, tpu.core_type = #tpu.core_type<sc_vector_subcore>, window_params = [{transform_indices = #map}, {transform_indices = #map}]} {
    %mul3A = arith.constant 2 : i32
    %mul3A_0 = arith.muli %arg1, %mul3A : i32
    %add3A = arith.addi %mul3A_0, %arg0 : i32
    %mul3A_1 = arith.constant 320 : i32
    %mul3A_2 = arith.muli %add3A, %mul3A_1 : i32
    %broadcast_in_dim3A = arith.constant 0.000000e+00 : f32
    %broadcast_in_dim3A_3 = vector.broadcast %broadcast_in_dim3A : f32 to vector<16xf32>
    %swap3A = arith.constant 0 : index
    %swap3A_4 = tpu.vector_load %arg5[%swap3A] {strides = array<i32>} : memref<16xf32, #tpu.memory_space<vmem>>, vector<16xf32>,
    %swap3A_5 = vector.shape_cast %swap3A_4 : vector<16xf32> to vector<16xf32>
    %swap3A_6 = vector.shape_cast %broadcast_in_dim3A_3 : vector<16xf32> to vector<16xf32>
    tpu.vector_store %arg5[%swap3A], %swap3A_6 {strides = array<i32>} : memref<16xf32, #tpu.memory_space<vmem>>, vector<16xf32>,
    %scan3A = arith.constant 0 : i32
    %scan3A_7 = arith.constant 320 : i32
    %scan3A_8 = arith.addi %scan3A, %scan3A_7 : i32
    %scan3A_9 = arith.constant 1 : i32
    scf.for %scan3A_11 = %scan3A to %scan3A_8 step %scan3A_9  : i32 {
      %mul3A_12 = arith.constant 1 : i32
      %mul3A_13 = arith.muli %scan3A_11, %mul3A_12 : i32
      %add3A_14 = arith.constant 0 : i32
      %add3A_15 = arith.addi %add3A_14, %mul3A_13 : i32
      %add3A_16 = arith.addi %mul3A_2, %add3A_15 : i32
      %min3A = arith.constant 9999 : i32
      %min3A_17 = arith.minsi %add3A_16, %min3A : i32
      "tpu.region"() ({
        %run_scoped3A = tpu.sem_alloc : memref<!tpu.dma_semaphore, #tpu.memory_space<semaphore_mem>>
        %dma_start3A = arith.constant 0 : i32
        %dma_start3A_23 = tpu.memref_slice %arg2[%min3A_17, %dma_start3A] : memref<10000x10000xf32, #tpu.memory_space<hbm>> -> memref<1x10000xf32, #tpu.memory_space<hbm>>
        %dma_start3A_24 = tpu.memref_squeeze %dma_start3A_23 : memref<1x10000xf32, #tpu.memory_space<hbm>> -> memref<10000xf32, #tpu.memory_space<hbm>>
        %dma_start3A_25 = arith.constant 0 : i32
        %dma_start3A_26 = tpu.memref_slice %arg2[%min3A_17, %dma_start3A_25] : memref<10000x10000xf32, #tpu.memory_space<hbm>> -> memref<1x10000xf32, #tpu.memory_space<hbm>>
        %dma_start3A_27 = tpu.memref_squeeze %dma_start3A_26 : memref<1x10000xf32, #tpu.memory_space<hbm>> -> memref<10000xf32, #tpu.memory_space<hbm>>
        tpu.enqueue_dma source(%dma_start3A_27 : memref<10000xf32, #tpu.memory_space<hbm>>) target(%arg4 : memref<10000xf32, #tpu.memory_space<vmem>>) target_semaphore(%run_scoped3A : memref<!tpu.dma_semaphore, #tpu.memory_space<semaphore_mem>>)
        %dma_wait3A = arith.constant 0 : i32
        %dma_wait3A_28 = tpu.memref_slice %arg2[%min3A_17, %dma_wait3A] : memref<10000x10000xf32, #tpu.memory_space<hbm>> -> memref<1x10000xf32, #tpu.memory_space<hbm>>
        %dma_wait3A_29 = tpu.memref_squeeze %dma_wait3A_28 : memref<1x10000xf32, #tpu.memory_space<hbm>> -> memref<10000xf32, #tpu.memory_space<hbm>>
        %dma_wait3A_30 = arith.constant 0 : i32
        %dma_wait3A_31 = tpu.memref_slice %arg2[%min3A_17, %dma_wait3A_30] : memref<10000x10000xf32, #tpu.memory_space<hbm>> -> memref<1x10000xf32, #tpu.memory_space<hbm>>
        %dma_wait3A_32 = tpu.memref_squeeze %dma_wait3A_31 : memref<1x10000xf32, #tpu.memory_space<hbm>> -> memref<10000xf32, #tpu.memory_space<hbm>>
        tpu.wait_dma2 semaphore(%run_scoped3A : memref<!tpu.dma_semaphore, #tpu.memory_space<semaphore_mem>>) src(%dma_wait3A_32 : memref<10000xf32, #tpu.memory_space<hbm>>) dst(%arg4 : memref<10000xf32, #tpu.memory_space<vmem>>)
        tpu.yield
      }) : () -> ()
      %scan3A_18 = arith.constant 0 : i32
      %scan3A_19 = arith.constant 625 : i32
      %scan3A_20 = arith.addi %scan3A_18, %scan3A_19 : i32
      %scan3A_21 = arith.constant 1 : i32
      scf.for %scan3A_23 = %scan3A_18 to %scan3A_20 step %scan3A_21  : i32 {
        %mul3A_24 = arith.constant 1 : i32
        %mul3A_25 = arith.muli %scan3A_23, %mul3A_24 : i32
        %add3A_26 = arith.constant 0 : i32
        %add3A_27 = arith.addi %add3A_26, %mul3A_25 : i32
        %mul3A_28 = arith.constant 16 : i32
        %mul3A_29 = arith.muli %add3A_27, %mul3A_28 : i32
        %get3A = arith.index_cast %mul3A_29 : i32 to index
        %get3A_30 = tpu.vector_load %arg4[%get3A] {strides = array<i32>} : memref<10000xf32, #tpu.memory_space<vmem>>, vector<16xf32>,
        %get3A_31 = vector.shape_cast %get3A_30 : vector<16xf32> to vector<16xf32>
        %get3A_32 = arith.constant 0 : index
        %get3A_33 = tpu.vector_load %arg5[%get3A_32] {strides = array<i32>} : memref<16xf32, #tpu.memory_space<vmem>>, vector<16xf32>,
        %get3A_34 = vector.shape_cast %get3A_33 : vector<16xf32> to vector<16xf32>
        %add3A_35 = arith.addf %get3A_34, %get3A_31 : vector<16xf32>
        %swap3A_36 = arith.constant 0 : index
        %swap3A_37 = tpu.vector_load %arg5[%swap3A_36] {strides = array<i32>} : memref<16xf32, #tpu.memory_space<vmem>>, vector<16xf32>,
        %swap3A_38 = vector.shape_cast %swap3A_37 : vector<16xf32> to vector<16xf32>
        %swap3A_39 = vector.shape_cast %add3A_35 : vector<16xf32> to vector<16xf32>
        tpu.vector_store %arg5[%swap3A_36], %swap3A_39 {strides = array<i32>} : memref<16xf32, #tpu.memory_space<vmem>>, vector<16xf32>,
      }
      %scan3A_22 = arith.constant 625 : i32
    }
    %scan3A_10 = arith.constant 320 : i32
    "tpu.region"() ({
      %run_scoped3A = tpu.sem_alloc : memref<!tpu.dma_semaphore, #tpu.memory_space<semaphore_mem>>
      %dma_start3A = arith.constant 0 : i32
      %dma_start3A_11 = tpu.memref_slice %arg3[%add3A, %dma_start3A] : memref<32x16xf32, #tpu.memory_space<hbm>> -> memref<1x16xf32, #tpu.memory_space<hbm>>
      %dma_start3A_12 = tpu.memref_squeeze %dma_start3A_11 : memref<1x16xf32, #tpu.memory_space<hbm>> -> memref<16xf32, #tpu.memory_space<hbm>>
      %dma_start3A_13 = arith.constant 0 : i32
      %dma_start3A_14 = tpu.memref_slice %arg3[%add3A, %dma_start3A_13] : memref<32x16xf32, #tpu.memory_space<hbm>> -> memref<1x16xf32, #tpu.memory_space<hbm>>
      %dma_start3A_15 = tpu.memref_squeeze %dma_start3A_14 : memref<1x16xf32, #tpu.memory_space<hbm>> -> memref<16xf32, #tpu.memory_space<hbm>>
      tpu.enqueue_dma source(%arg5 : memref<16xf32, #tpu.memory_space<vmem>>) target(%dma_start3A_15 : memref<16xf32, #tpu.memory_space<hbm>>) target_semaphore(%run_scoped3A : memref<!tpu.dma_semaphore, #tpu.memory_space<semaphore_mem>>)
      %dma_wait3A = arith.constant 0 : i32
      %dma_wait3A_16 = tpu.memref_slice %arg3[%add3A, %dma_wait3A] : memref<32x16xf32, #tpu.memory_space<hbm>> -> memref<1x16xf32, #tpu.memory_space<hbm>>
      %dma_wait3A_17 = tpu.memref_squeeze %dma_wait3A_16 : memref<1x16xf32, #tpu.memory_space<hbm>> -> memref<16xf32, #tpu.memory_space<hbm>>
      %dma_wait3A_18 = arith.constant 0 : i32
      %dma_wait3A_19 = tpu.memref_slice %arg3[%add3A, %dma_wait3A_18] : memref<32x16xf32, #tpu.memory_space<hbm>> -> memref<1x16xf32, #tpu.memory_space<hbm>>
      %dma_wait3A_20 = tpu.memref_squeeze %dma_wait3A_19 : memref<1x16xf32, #tpu.memory_space<hbm>> -> memref<16xf32, #tpu.memory_space<hbm>>
      tpu.wait_dma2 semaphore(%run_scoped3A : memref<!tpu.dma_semaphore, #tpu.memory_space<semaphore_mem>>) src(%arg5 : memref<16xf32, #tpu.memory_space<vmem>>) dst(%dma_wait3A_20 : memref<16xf32, #tpu.memory_space<hbm>>)
      tpu.yield
    }) : () -> ()
    return
  }
}

</mosaic_0001>

<sc_bundles>
// kernel: kernel.3.cloned.1.call-start
scs
__scs_entry_jumppad:
0x0: {  	(pc) =	sbr.rel $0x88, $3  }
0x1: {  	(tag) =	ssettag $0x0;
	lr =	simm.s32 $0x1  }
0x2: {  	[smem:$0x3FA0] =	sst lr;
	_ =	strace $0xD0000000  }
0x3: {  	_ = 	snop  }
0x4: {  	_ = 	snop  }
0x5: {  	_ = 	snop  }
0x6: {  	_ = 	snop  }
0x7: {  	_ = 	snop  }
__scs_overlays_trampoline_lowered:
0x8: {  	[smem:$0x3FAF] =	sst s0  }
0x9: {  	[smem:$0x3FB0] =	sst s1  }
0xa: {  	[smem:$0x3FB1] =	sst s2  }
0xb: {  	[smem:$0x3FB2] =	sst s3  }
0xc: {  	[smem:$0x3FB3] =	sst s4  }
0xd: {  	[smem:$0x3FB4] =	sst s5  }
0xe: {  	[smem:$0x3FB5] =	sst s6  }
0xf: {  	[smem:$0x3FB6] =	sst s7  }
0x10: {  	[smem:$0x3FB7] =	sst s8  }
0x11: {  	[smem:$0x3FB8] =	sst s9;
	s0 =	simm.s32 @!p0 $0x0  }
0x12: {  	s1 =	sld [smem:$0x3F9E];
	s0 =	simm.s32 @p0 $0x1  }
0x13: {  	[smem:$0x3FB9] =	sst s0;
	s0 =	simm.s32 @!p1 $0x0  }
0x14: {  	s2 =	sld [smem:$0x3F9D];
	s0 =	simm.s32 @p1 $0x1  }
0x15: {  	[smem:$0x3FBA] =	sst s0;
	s0 =	simm.s32 @!p2 $0x0  }
0x16: {  	s3 =	sld [smem:$0x3FDB];
	s0 =	simm.s32 @p2 $0x1  }
0x17: {  	s4 =	simm.s32 $0x1BF5;
	[smem:$0x3FBC] =	sst s0  }
0x18: {  	s0 =	sld [smem:$0x3F9F];
	_ =	swait.ge [sflag:s4], $0x0  }
0x19: {  	s7 =	sld [smem:$0x3FA0]  }
0x1a: {  	s8 =	sadd.s32 $0xFFFFE003, lr  }
0x1b: {  	s9 =	sadd.s32 $0xFFFFFEF7, lr;
	s5 =	simm.s32 $0xFFFFFFFF;
	p2 =	slt.u32 s8, $0xFFFFF086  }
0x1c: {  	p1 =	slt.u32 s9, $0xF7A;
	s5 =	simm.s32 @!p2 $0x0  }
0x1d: {  	s5 =	simm.s32 @p1 $0x1;
	p0 =	seq.s32 s7, s2  }
0x1e: {  	s7 =	smul.u32 @!p0 $0xF7A, s2;
	p2 =	seq.s32 @!p0 s5, $0x0  }
0x1f: {  	s9 =	smul.u32 $0xF7A, s1;
	s8 =	simm.s32 @!p0 $0x1BF5;
	p2 =	por !p2, p0  }
0x20: {  	[sflag:s8] =	ssyncset.s32 @!p0 $0xFFFFF086;
	s6 =	sadd.s32 @!p0 s3, s7;
	s7 =	simm.s32 @!p0 $0x108  }
0x21: {  	s3 =	sadd.s32 s3, s9;
	s6 =	sadd.s32 @!p0 $0x88, s6;
	s7 =	simm.s32 @p2 $0x1082  }
0x22: {  	[simem:s7], [sflag:s8] =	dma.local @!p0 [hbm:s6], $0xF7A  }
0x23: {  	s9 =	sor.u32 $0xD0000000, s2;
	s6 =	simm.s32 $0x108;
	_ =	swait.ge @!p0 [sflag:s8], $0x0  }
0x24: {  	s3 =	sadd.s32 $0x88, s3;
	s6 =	simm.s32 @!p1 $0x1082;
	[sflag:s4] =	ssyncset.s32 $0xFFFFF086  }
0x25: {  	[simem:s6], [sflag:s4] =	dma.local [hbm:s3], $0xF7A  }
0x26: {  	[smem:$0x3FA0] =	sst s1;
	(tag) =	ssettag s2;
	_ =	strace s9  }
0x27: {  	s1 =	sld [smem:$0x3FB0]  }
0x28: {  	s2 =	sld [smem:$0x3FB1]  }
0x29: {  	s4 =	sld [smem:$0x3FB3]  }
0x2a: {  	p0 =	seq.s32 s5, $0x0;
	s5 =	sld [smem:$0x3FB4]  }
0x2b: {  	s6 =	sld [smem:$0x3FB5]  }
0x2c: {  	s7 =	sld [smem:$0x3FB6]  }
0x2d: {  	s3 =	simm.s32 $0x108;
	s8 =	sld [smem:$0x3FB7]  }
0x2e: {  	s3 =	simm.s32 @!p0 $0x1082;
	s9 =	sld [smem:$0x3FB8]  }
0x2f: {  	lr =	sadd.s32 s0, s3;
	s0 =	sld [smem:$0x3FAF]  }
0x30: {  	s3 =	sld [smem:$0x3FB2]  }
0x31: {  	[smem:$0x3FBB] =	sst s10  }
0x32: {  	s10 =	sld [smem:$0x3FB9];
	_ =	sdelay $0x3  }
0x33: {  	p0 =	seq.s32 s10, $0x1;
	s10 =	sld [smem:$0x3FBB];
	_ =	sdelay $0x3  }
0x34: {  	[smem:$0x3FBB] =	sst s10  }
0x35: {  	s10 =	sld [smem:$0x3FBA];
	_ =	sdelay $0x3  }
0x36: {  	p1 =	seq.s32 s10, $0x1;
	s10 =	sld [smem:$0x3FBB];
	_ =	sdelay $0x3  }
0x37: {  	[smem:$0x3FBB] =	sst s10  }
0x38: {  	s10 =	sld [smem:$0x3FBC]  }
0x39: {  	_ = 	snop;
	(pc) =	sbr.ind lr, $3  }
0x3a: {  	_ = 	snop  }
0x3b: {  	_ = 	snop  }
0x3c: {  	p2 =	seq.s32 s10, $0x1;
	s10 =	sld [smem:$0x3FBB]  }
0x3d: {  	_ =	shalt  }
0x3e: {  	_ =	shalt  }
0x3f: {  	_ =	shalt  }
0x40: {  	_ =	shalt  }
0x41: {  	_ =	shalt  }
0x42: {  	_ =	shalt  }
0x43: {  	_ =	shalt  }
0x44: {  	_ =	shalt  }
0x45: {  	_ =	shalt  }
0x46: {  	_ =	shalt  }
0x47: {  	_ =	shalt  }
0x48: {  	_ =	shalt  }
0x49: {  	_ =	shalt  }
0x4a: {  	_ =	shalt  }
0x4b: {  	_ =	shalt  }
0x4c: {  	_ =	shalt  }
0x4d: {  	_ =	shalt  }
0x4e: {  	_ =	shalt  }
0x4f: {  	_ =	shalt  }
0x50: {  	_ =	shalt  }
0x51: {  	_ =	shalt  }
0x52: {  	_ =	shalt  }
0x53: {  	_ =	shalt  }
0x54: {  	_ =	shalt  }
0x55: {  	_ =	shalt  }
0x56: {  	_ =	shalt  }
0x57: {  	_ =	shalt  }
0x58: {  	_ =	shalt  }
0x59: {  	_ =	shalt  }
0x5a: {  	_ =	shalt  }
0x5b: {  	_ =	shalt  }
0x5c: {  	_ =	shalt  }
0x5d: {  	_ =	shalt  }
0x5e: {  	_ =	shalt  }
0x5f: {  	_ =	shalt  }
0x60: {  	_ =	shalt  }
0x61: {  	_ =	shalt  }
0x62: {  	_ =	shalt  }
0x63: {  	_ =	shalt  }
0x64: {  	_ =	shalt  }
0x65: {  	_ =	shalt  }
0x66: {  	_ =	shalt  }
0x67: {  	_ =	shalt  }
0x68: {  	_ =	shalt  }
0x69: {  	_ =	shalt  }
0x6a: {  	_ =	shalt  }
0x6b: {  	_ =	shalt  }
0x6c: {  	_ =	shalt  }
0x6d: {  	_ =	shalt  }
0x6e: {  	_ =	shalt  }
0x6f: {  	_ =	shalt  }
0x70: {  	_ =	shalt  }
0x71: {  	_ =	shalt  }
0x72: {  	_ =	shalt  }
0x73: {  	_ =	shalt  }
0x74: {  	_ =	shalt  }
0x75: {  	_ =	shalt  }
0x76: {  	_ =	shalt  }
0x77: {  	_ =	shalt  }
0x78: {  	_ =	shalt  }
0x79: {  	_ =	shalt  }
0x7a: {  	_ =	shalt  }
0x7b: {  	_ =	shalt  }
0x7c: {  	_ =	shalt  }
0x7d: {  	_ =	shalt  }
0x7e: {  	_ =	shalt  }
0x7f: {  	_ =	shalt  }
0x80: {  	_ =	shalt  }
0x81: {  	_ =	shalt  }
0x82: {  	_ =	shalt  }
0x83: {  	_ =	shalt  }
0x84: {  	_ =	shalt  }
0x85: {  	_ =	shalt  }
0x86: {  	_ =	shalt  }
0x87: {  	_ =	shalt  }
.Lfunc_end0:
.L_simem_size_0:
called_computation_lowered:
.L_overlay_start_0:
0x88: {  	s2 =	sld [smem:$0x3FD9]  }
0x89: {  	s3 =	sld [smem:$0x3FFE];
	_ =	sdelay $0x1  }
0x8a: {  	s1 =	srdreg.scid  }
0x8b: {  	s0 =	sand.u32 $0x1, s1  }
0x8c: {  	s17 =	sshll.u32 s0, $0xA;
	s2 =	sadd.s32 s3, s2  }
0x8d: {  	s2 =	sadd.s32 s2, s17  }
0x8e: {  	[smem:$0x3FC7] =	sst s2  }
0x8f: {  	_ = 	snop  }
0x90: {  	s2 =	sld [smem:$0x3FC9];
	(tm) =	ssettm $0x1  }
0x91: {  	s18 =	sld [smem:$0x3FFB];
	_ =	sdelay $0x3  }
0x92: {  	_ =	strace s18  }
0x93: {  	s3 =	sld [smem:$0x3FFC];
	_ =	sdelay $0x3  }
0x94: {  	_ =	strace s3  }
0x95: {  	s3 =	sld [smem:$0x3FFD];
	_ =	sdelay $0x3  }
0x96: {  	_ =	strace s3  }
0x97: {  	_ =	strace $0x8FFFFFFF  }
0x98: {  	s19 =	sld [smem:$0x3FDB];
	_ =	sdelay $0x1  }
0x99: {  	s4 =	simm.s32 $_scs_section_size  }
0x9a: {  	s5 =	simm.s32 $_size__tile_overlayer_lowered;
	s6 =	simm.s32 $_tile_overlayer_lowered  }
0x9b: {  	s22 =	simm.s32 $0x1BFF;
	s21 =	sshll.u32 s6, $0x1;
	s3 =	sadd.s32 s4, s19  }
0x9c: {  	s7 =	simm.s32 $0x0;
	s20 =	sshll.u32 s5, $0x1;
	s5 =	sadd.s32 s21, s3  }
0x9d: {  	[timem:s7], [sflag:s22] =	dma.local [hbm:s5], s20  }
0x9e: {  	_ =	swait.ge [sflag:s22], s20  }
0x9f: {  	s4 =	ssub.s32 $0x0, s20;
	[sflag:s22] =	ssyncset.done $0x0  }
0xa0: {  	[sflag:s22] =	ssyncadd.s32 s4;
	_ =	sdelay $0x1  }
0xa1: {  	s23 =	simm.s32 $0x1B8B  }
0xa2: {  	_ =	swait.ge [sflag:s23], $0x1  }
0xa3: {  	[sflag:s23] =	ssyncset.done $0x0  }
0xa4: {  	s25 =	simm.s32 $0x1B8E;
	s24 =	sld [smem:$0x3FFE];
	[sflag:s23] =	ssyncadd.s32 $0xFFFFFFFF  }
0xa5: {  	s26 =	simm.s32 $execute0_lowered;
	[smem:$0x3FD2] =	sst s25  }
0xa6: {  	s5 =	sshll.u32 s26, $0x1;
	_ =	strace $0x80000046;
	[dreg:$0x1] =	wrdreg $0xFFFFFFFF  }
0xa7: {  	s28 =	simm.s32 $_size_execute0_lowered;
	s3 =	sadd.s32 s3, s5;
	[dreg:$0x0] =	wrdreg $0x0  }
0xa8: {  	s5 =	sshll.u32 s28, $0x1;
	[dreg:$0x2] =	wrdreg s3  }
0xa9: {  	[dreg:$0x3] =	wrdreg s5  }
0xaa: {  	[dreg:$0x4] =	wrdreg $0xC0  }
0xab: {  	_ =	task [dreg:s7], $0x5FFFF  }
0xac: {  	[dreg:$0x1] =	wrdreg $0xFFFFFFFF  }
0xad: {  	[dreg:$0x0] =	wrdreg $0x60  }
0xae: {  	[dreg:$0x2] =	wrdreg s2  }
0xaf: {  	[dreg:$0x3] =	wrdreg s24  }
0xb0: {  	[dreg:$0x4] =	wrdreg $0x9  }
0xb1: {  	_ =	task.clear_ibuf [dreg:s7], $0x5FFFF;
	_ =	strace $0x90000046  }
0xb2: {  	s29 =	simm.s32 $0x9;
	_ =	strace $0x80000048  }
0xb3: {  	_ =	swait.ge [sflag:s29], $0x1  }
0xb4: {  	[sflag:s29] =	ssyncadd.s32 $0xFFFFFFFF  }
0xb5: {  	_ =	strace $0x90000048  }
0xb6: {  	_ =	sfence  }
0xb7: {  	s30 =	sld [smem:$0x0];
	_ =	sdelay $0x2  }
0xb8: {  	s31 =	sshll.u32 s1, $0xD;
	s1 =	sshrl.u32 s1, $0x2  }
0xb9: {  	s3 =	sand.u32 $0x4000, s31;
	s1 =	sadd.s32 s1, s30  }
0xba: {  	s0 =	sor.u32 s3, s0;
	s1 =	sshll.u32 s1, $0x11  }
0xbb: {  	s0 =	sor.u32 s1, s0  }
0xbc: {  	s0 =	sadd.s32 $0x8F2B, s0  }
0xbd: {  	[sflag:s0] =	ssyncadd.remote.s32 $0x1  }
0xbe: {  	_ =	sfence.sel $0xFFFF  }
0xbf: {  	[dreg:$0x0] =	wrdreg $0xFFFFFFFF;
	(pc) =	sbr.abs _section_cstart, $3  }
0xc0: {  	[dreg:$0x1] =	wrdreg $0xFFFFFFFF  }
0xc1: {  	_ =	task.clear_ibuf [dreg:s7], $0x2FFFF;
	_ =	strace $0x9FFFFFFF  }
0xc2: {  	(tm) =	ssettm $0x7FFFFFFF  }
0xc3: {  	_ =	shalt  }
tec
execute0_lowered:
.L_overlay_start_1:
0x0: {  	(tag) =	ssettag $0x1  }
0x1: {  	s2 =	rddreg [dreg:$0x0]  }
0x2: {  	s1 =	srdreg.scid;
	s0 =	stileid.u32  }
0x3: {  	s4 =	rddreg [dreg:$0x1];
	s3 =	simm.s32 $0x0;
	s9 =	simm.s32 $0x1  }
0x4: {  	s10 =	simm.s32 $0x2780;
	s5 =	sand.u32 $0x1, s1;
	s6 =	sshll.u32 s0, $0x1  }
0x5: {  	s11 =	simm.s32 $0x0;
	s1 =	rddreg [dreg:$0x2];
	s6 =	sor.u32 s5, s6  }
0x6: {  	[smem:$0x7FF] =	sst s3;
	s5 =	ssub.s32 $0x2, s5;
	s7 =	sshll.u32 s6, $0x4  }
0x7: {  	_ =	strace $0x80000047;
	s31 =	sshrl.u32 s5, $0x1;
	s7 =	sadd.s32 s7, s4  }
0x8: {  	s8 =	ssub.s32 s5, s31;
	s4 =	smul.u32 $0x140, s6;
	s5 =	sadd.s32 $0x400, s7  }
0x9: {  	v0 =	vimm.f32 $0.0e+00;
	s6 =	smax.u32 s8, $0x1;
	s7 =	simm.s32 $0x80;
	s8 =	simm.s32 $0x400  }
.LBB2_1:
0xa: {  	[tilespmem:$0x2780] =	vst v0;
	s12 =	simm.s32 $0x0  }
.LBB2_2:
0xb: {  	s13 =	sadd.s32 s4, s12  }
0xc: {  	p0 =	slt.s32 s13, $0x270F  }
0xd: {  	s13 =	simm.s32 @!p0 $0x270F  }
0xe: {  	s14 =	sshrl.u32 s13, $0x3  }
0xf: {  	s13 =	sshll.u32 s13, $0x7;
	s14 =	smul.u32 $0x13C00, s14  }
0x10: {  	s13 =	sand.u32 $0x380, s13  }
0x11: {  	s13 =	sor.u32 s13, s14  }
0x12: {  	s13 =	sshrl.u32 s13, $0x3  }
0x13: {  	s31 =	simm.s32 $0x0;
	s13 =	sadd.s32 s2, s13  }
0x14: {  	[tilespmem:s31], [sflag:$0x1] =	stream.strided.gather [hbm4b:s13+s7], $0x2780, s8, s7, $0x38;
	[tilespmem:$0x2800] =	vst v63  }
0x15: {  	_ =	swait.ge [sflag:s9], $0x2780  }
0x16: {  	[sflag:s9] =	ssyncset.done $0x0  }
0x17: {  	[sflag:s9] =	ssyncadd.s32 $0xFFFFD880  }
0x18: {  	s14 =	simm.s32 $0x0;
	s13 =	simm.s32 $0x40;
	v1 =	vld [tilespmem:$0x2780]  }
.LBB2_3:
0x19: {  	p0 =	sne.s32 s13, $0x9C00;
	v2 =	vld [tilespmem:s14+$0x0];
	_ =	sdelay $0x2  }
.Ltmp0:
0x1a: {  	(pc) =	sbr.rel @p0 .LBB2_3-.Ltmp0, $3  }
0x1b: {  	_ = 	snop  }
0x1c: {  	v1 =	vadd.f32 v1, v2;
	_ =	sdelay $0x1  }
0x1d: {  	s14 =	sshra.s32 s13, $0x2;
	s13 =	sadd.s32 $0x40, s13;
	[tilespmem:$0x2780] =	vst v1  }
0x1e: {  	v2 =	vld [tilespmem:s14+$0x0]  }
0x1f: {  	s12 =	sadd.s32 $0x1, s12  }
0x20: {  	p0 =	sne.s32 s12, $0x140  }
.Ltmp1:
0x21: {  	_ = 	snop;
	(pc) =	sbr.rel @p0 .LBB2_2-.Ltmp1, $3  }
0x22: {  	_ = 	snop  }
0x23: {  	v1 =	vadd.f32 v1, v2;
	_ =	sdelay $0x1  }
0x24: {  	[tilespmem:$0x2780] =	vst v1  }
0x25: {  	s11 =	sadd.s32 $0x1, s11  }
0x26: {  	p0 =	sne.s32 s11, s6  }
.Ltmp2:
0x27: {  	_ = 	snop;
	(pc) =	sbr.rel @p0 .LBB2_1-.Ltmp2, $4  }
0x28: {  	[hbm4b:s5+s3] =	stream.linear.scatter [tilespmem:s10], [sflag:$0x1], $0x80, $0x38;
	[tilespmem:$0x2800] =	vst v63  }
0x29: {  	_ =	swait.ge [sflag:s9], $0x80  }
0x2a: {  	[sflag:s9] =	ssyncset.done $0x0  }
0x2b: {  	[sflag:s9] =	ssyncadd.s32 $0xFFFFFF80  }
0x2c: {  	_ =	sfence.sel $0x180000  }
0x2d: {  	[bflag:$0x0] =	sbarrier.arrive $0xFFFF  }
0x2e: {  	p0 =	sne.s32 s0, $0x0;
	_ =	strace $0x90000047  }
0x2f: {  	s0 =	sadd.s32 @!p0 $0x100000, s1;
	[bflag:$0x2] =	sbarrier.arrive $0xFFFF  }
0x30: {  	[sflag:s0] =	ssyncadd.tile.s32 @!p0 $0x1;
	_ =	shalt  }
.Lfunc_end2:
_tile_overlayer_lowered:
.L_overlay_start_2:
0x31: {  	(tag) =	ssettag $0x2  }
0x32: {  	s0 =	rddreg [dreg:$0x0];
	s2 =	stileid.u32  }
0x33: {  	s1 =	rddreg [dreg:$0x1];
	p0 =	sne.s32 s2, $0x0  }
0x34: {  	s3 =	rddreg [dreg:$0x2];
	[bflag:$0x3] =	sbarrier.arrive $0xFFFF;
	s2 =	simm.s32 @!p0 $0x1C01  }
0x35: {  	[timem:s3], [sflag:s2] =	dma.local @!p0 [hbm:s0], s1  }
0x36: {  	s0 =	simm.s32 @!p0 $0x1  }
0x37: {  	_ =	swait.ge @!p0 [sflag:s0], s1  }
0x38: {  	s1 =	ssub.s32 @!p0 $0x0, s1;
	[sflag:s0] =	ssyncset.done @!p0 $0x0  }
0x39: {  	[sflag:s0] =	ssyncadd.s32 @!p0 s1  }
0x3a: {  	[bflag:$0x3] =	sbarrier.arrive $0xFFFF  }
0x3b: {  	_ =	shalt  }

</sc_bundles>
